<compile_context>
chip_gen: v7x
topology: tpu7x:2x2x1
jax: 0.10.2.dev20260603
libtpu: 0.0.44.dev20260713+nightly
codegen_flags: <defaults>
</compile_context>

<pallas_src>
import functools

import jax
import jax.numpy as jnp
from jax import lax
from jax.experimental import pallas as pl
from jax.experimental.pallas import tpu as pltpu
from jax.experimental.pallas import tpu_sc as plsc

DIM = 256
BLK_MAJ = 8
BLK_R = 256
BUF_ROWS = 256
LANES = 16


N_BUF = 6


def _tc_body(ys_ref, m_ref, w_ref, b_ref, y_hbm, scratch, sems):
    i = pl.program_id(0)
    n = pl.num_programs(0)
    slot = lax.rem(i, N_BUF)

    def _dma(s, st):
        return pltpu.make_async_copy(
            scratch.at[s],
            y_hbm.at[pl.ds(st * BLK_MAJ, BLK_MAJ)],
            sems.at[s],
        )

    @pl.when(i >= N_BUF)
    def _wait_prev():
        _dma(slot, i - N_BUF).wait()

    ys = ys_ref[...]
    m = m_ref[...]
    w = w_ref[0, :]
    b = b_ref[0, :]
    scratch[slot] = (
        ys[:, :, None] * w[None, None, :] + b[None, None, :]
    ) * m[:, :, None]
    _dma(slot, i).start()

    @pl.when(i == n - 1)
    def _drain():
        for k in range(N_BUF):
            _dma(lax.rem(i - k, N_BUF), i - k).wait()


def _tc_y(ys2, m2, w2, b2):
    G, R = ys2.shape
    return pl.pallas_call(
        _tc_body,
        grid=(G // BLK_MAJ,),
        in_specs=[
            pl.BlockSpec((BLK_MAJ, R), lambda i: (i, 0)),
            pl.BlockSpec((BLK_MAJ, R), lambda i: (i, 0)),
            pl.BlockSpec((1, DIM), lambda i: (0, 0)),
            pl.BlockSpec((1, DIM), lambda i: (0, 0)),
        ],
        out_specs=pl.BlockSpec(memory_space=pl.ANY),
        out_shape=jax.ShapeDtypeStruct((G, R, DIM), jnp.float32),
        scratch_shapes=[
            pltpu.VMEM((N_BUF, BLK_MAJ, R, DIM), jnp.float32),
            pltpu.SemaphoreType.DMA((N_BUF,)),
        ],
    )(ys2, m2, w2, b2)


def _sc_fill(mask_table, batch, n_query):
    info = plsc.get_sparse_core_info()
    nc, ns = info.num_cores, info.num_subcores
    nw = nc * ns
    total_elems = batch * n_query * DIM
    chunk_elems = BUF_ROWS * DIM
    elems_per_w = total_elems // nw
    n_chunk = elems_per_w // chunk_elems
    mesh = plsc.VectorSubcoreMesh(core_axis_name="c", subcore_axis_name="s")

    @functools.partial(
        pl.kernel,
        out_type=jax.ShapeDtypeStruct((total_elems,), jnp.float32),
        mesh=mesh,
        scratch_types=[
            pltpu.VMEM((DIM,), jnp.float32),
            pltpu.VMEM((chunk_elems,), jnp.float32),
            pltpu.SemaphoreType.DMA,
        ],
    )
    def yq_fill(mt_hbm, out_hbm, row_v, buf_v, sem):
        wid = lax.axis_index("s") * nc + lax.axis_index("c")
        base = wid * elems_per_w
        pltpu.sync_copy(mt_hbm, row_v)
        vs = [row_v[pl.ds(LANES * d, LANES)] for d in range(DIM // LANES)]

        def fill_body(i, carry):
            for d in range(DIM // LANES):
                buf_v[pl.ds(i * DIM + LANES * d, LANES)] = vs[d]
            return carry

        lax.fori_loop(0, BUF_ROWS, fill_body, 0)

        def fire_body(j, carry):
            pltpu.make_async_copy(
                buf_v, out_hbm.at[pl.ds(base + j * chunk_elems, chunk_elems)], sem
            ).start()
            return carry

        lax.fori_loop(0, n_chunk, fire_body, 0)

        def drain_body(j, carry):
            pltpu.make_async_copy(
                buf_v, out_hbm.at[pl.ds(base, chunk_elems)], sem
            ).wait()
            return carry

        lax.fori_loop(0, n_chunk, drain_body, 0)

    return yq_fill(mask_table.reshape(DIM))


def kernel(y_support, padding_obs_support, n_obs_query, W_y, b_y, mask_table):
    batch, n_sup = y_support.shape
    total = batch * n_sup
    R = BLK_R
    G = total // R
    ys2 = y_support.reshape(G, R)
    m2 = jnp.where(padding_obs_support.reshape(G, R), 0.0, 1.0).astype(jnp.float32)
    w2 = W_y.reshape(1, DIM)
    b2 = b_y.reshape(1, DIM)

    yq = _sc_fill(mask_table, batch, n_sup)
    y = _tc_y(ys2, m2, w2, b2)

    return (
        y.reshape(batch, n_sup, DIM),
        yq.reshape(batch, n_sup, 1, DIM),
    )

# --- scband reference (transcript-rebuilt; emitter-appended) ---
"""Pipeline reference for scband-tab2-dembedding-yregression-40166534152342 (READ-ONLY COPY).

The authoritative reference and input builder live on the scoring server;
editing this copy changes nothing except your own understanding.
"""

import jax, jax.numpy as jnp
import numpy as np

DIM = 256
BATCH = 16
N_SUPPORT = 8192
N_QUERY = 8192


def setup_inputs(seed: int = 0) -> dict:
    key = jax.random.key(seed)
    k1, k2, k3, k4, k5 = jax.random.split(key, 5)
    y_support = jax.random.normal(k1, (BATCH, N_SUPPORT), dtype=jnp.float32)
    padding_obs_support = jax.random.randint(k2, (BATCH, N_SUPPORT), 0, 2).astype(bool)
    # nn.Linear(1, dim): weight [dim, 1], bias [dim]; torch default uniform(-1, 1) for fan_in=1
    W_y = jax.random.uniform(k3, (DIM, 1), dtype=jnp.float32, minval=-1.0, maxval=1.0)
    b_y = jax.random.uniform(k4, (DIM,), dtype=jnp.float32, minval=-1.0, maxval=1.0)
    # nn.Embedding(1, dim): table [1, dim], N(0,1) init
    mask_table = jax.random.normal(k5, (1, DIM), dtype=jnp.float32)
    return {
        "y_support": y_support,
        "padding_obs_support": padding_obs_support,
        "n_obs_query": N_QUERY,
        "W_y": W_y,
        "b_y": b_y,
        "mask_table": mask_table,
    }


def reference(y_support, padding_obs_support, n_obs_query, W_y, b_y, mask_table):
    batch_size = y_support.shape[0]
    y = y_support.astype(jnp.float32)
    # einops.rearrange 'b n -> b n 1'
    y = y[..., None]
    # nn.Linear(1, dim): y @ W^T + b -> [b, n, dim]
    y = jnp.einsum('bni,oi->bno', y, W_y) + b_y
    # y_support[padding_obs_support] = 0 (mask rows where padding is True)
    y = jnp.where(padding_obs_support[..., None], 0.0, y)
    # y_query = zeros int indices [b, n_obs_query, 1], then embedding lookup -> [b, n_obs_query, 1, dim]
    y_query_idx = jnp.zeros((batch_size, N_QUERY, 1), dtype=jnp.int32) * jnp.asarray(n_obs_query, dtype=jnp.int32)
    y_query = jnp.take(mask_table, y_query_idx, axis=0)
    return (y, y_query)

if __name__ == "__main__":
    import jax
    _d = setup_inputs()
    print(jax.jit(kernel)(*tuple(_d.values())))

</pallas_src>

<mosaic_0001>
#map = affine_map<(d0, d1) -> (0)>
module attributes {stable_mosaic.version = 14 : i64} {
  func.func @yq_fill(%arg0: i32, %arg1: i32, %arg2: memref<256xf32, #tpu.memory_space<hbm>>, %arg3: memref<33554432xf32, #tpu.memory_space<hbm>>, %arg4: memref<256xf32, #tpu.memory_space<vmem>>, %arg5: memref<65536xf32, #tpu.memory_space<vmem>>, %arg6: memref<!tpu.dma_semaphore, #tpu.memory_space<semaphore_mem>>) attributes {dimension_semantics = [#tpu.dimension_semantics<core_parallel>, #tpu.dimension_semantics<subcore_parallel>], iteration_bounds = array<i64: 2, 16>, scalar_prefetch = 0 : i64, scratch_operands = 3 : i64, tpu.core_type = #tpu.core_type<sc_vector_subcore>, window_params = [{transform_indices = #map}, {transform_indices = #map}]} {
    %mul3A = arith.constant 2 : i32
    %mul3A_0 = arith.muli %arg1, %mul3A : i32
    %add3A = arith.addi %mul3A_0, %arg0 : i32
    %mul3A_1 = arith.constant 1048576 : i32
    %mul3A_2 = arith.muli %add3A, %mul3A_1 : i32
    "tpu.region"() ({
      %run_scoped3A = tpu.sem_alloc : memref<!tpu.dma_semaphore, #tpu.memory_space<semaphore_mem>>
      tpu.enqueue_dma source(%arg2 : memref<256xf32, #tpu.memory_space<hbm>>) target(%arg4 : memref<256xf32, #tpu.memory_space<vmem>>) target_semaphore(%run_scoped3A : memref<!tpu.dma_semaphore, #tpu.memory_space<semaphore_mem>>)
      tpu.wait_dma2 semaphore(%run_scoped3A : memref<!tpu.dma_semaphore, #tpu.memory_space<semaphore_mem>>) src(%arg2 : memref<256xf32, #tpu.memory_space<hbm>>) dst(%arg4 : memref<256xf32, #tpu.memory_space<vmem>>)
      tpu.yield
    }) : () -> ()
    %get3A = arith.constant 0 : index
    %get3A_3 = tpu.vector_load %arg4[%get3A] {strides = array<i32>} : memref<256xf32, #tpu.memory_space<vmem>>, vector<16xf32>,
    %get3A_4 = vector.shape_cast %get3A_3 : vector<16xf32> to vector<16xf32>
    %get3A_5 = arith.constant 16 : index
    %get3A_6 = tpu.vector_load %arg4[%get3A_5] {strides = array<i32>} : memref<256xf32, #tpu.memory_space<vmem>>, vector<16xf32>,
    %get3A_7 = vector.shape_cast %get3A_6 : vector<16xf32> to vector<16xf32>
    %get3A_8 = arith.constant 32 : index
    %get3A_9 = tpu.vector_load %arg4[%get3A_8] {strides = array<i32>} : memref<256xf32, #tpu.memory_space<vmem>>, vector<16xf32>,
    %get3A_10 = vector.shape_cast %get3A_9 : vector<16xf32> to vector<16xf32>
    %get3A_11 = arith.constant 48 : index
    %get3A_12 = tpu.vector_load %arg4[%get3A_11] {strides = array<i32>} : memref<256xf32, #tpu.memory_space<vmem>>, vector<16xf32>,
    %get3A_13 = vector.shape_cast %get3A_12 : vector<16xf32> to vector<16xf32>
    %get3A_14 = arith.constant 64 : index
    %get3A_15 = tpu.vector_load %arg4[%get3A_14] {strides = array<i32>} : memref<256xf32, #tpu.memory_space<vmem>>, vector<16xf32>,
    %get3A_16 = vector.shape_cast %get3A_15 : vector<16xf32> to vector<16xf32>
    %get3A_17 = arith.constant 80 : index
    %get3A_18 = tpu.vector_load %arg4[%get3A_17] {strides = array<i32>} : memref<256xf32, #tpu.memory_space<vmem>>, vector<16xf32>,
    %get3A_19 = vector.shape_cast %get3A_18 : vector<16xf32> to vector<16xf32>
    %get3A_20 = arith.constant 96 : index
    %get3A_21 = tpu.vector_load %arg4[%get3A_20] {strides = array<i32>} : memref<256xf32, #tpu.memory_space<vmem>>, vector<16xf32>,
    %get3A_22 = vector.shape_cast %get3A_21 : vector<16xf32> to vector<16xf32>
    %get3A_23 = arith.constant 112 : index
    %get3A_24 = tpu.vector_load %arg4[%get3A_23] {strides = array<i32>} : memref<256xf32, #tpu.memory_space<vmem>>, vector<16xf32>,
    %get3A_25 = vector.shape_cast %get3A_24 : vector<16xf32> to vector<16xf32>
    %get3A_26 = arith.constant 128 : index
    %get3A_27 = tpu.vector_load %arg4[%get3A_26] {strides = array<i32>} : memref<256xf32, #tpu.memory_space<vmem>>, vector<16xf32>,
    %get3A_28 = vector.shape_cast %get3A_27 : vector<16xf32> to vector<16xf32>
    %get3A_29 = arith.constant 144 : index
    %get3A_30 = tpu.vector_load %arg4[%get3A_29] {strides = array<i32>} : memref<256xf32, #tpu.memory_space<vmem>>, vector<16xf32>,
    %get3A_31 = vector.shape_cast %get3A_30 : vector<16xf32> to vector<16xf32>
    %get3A_32 = arith.constant 160 : index
    %get3A_33 = tpu.vector_load %arg4[%get3A_32] {strides = array<i32>} : memref<256xf32, #tpu.memory_space<vmem>>, vector<16xf32>,
    %get3A_34 = vector.shape_cast %get3A_33 : vector<16xf32> to vector<16xf32>
    %get3A_35 = arith.constant 176 : index
    %get3A_36 = tpu.vector_load %arg4[%get3A_35] {strides = array<i32>} : memref<256xf32, #tpu.memory_space<vmem>>, vector<16xf32>,
    %get3A_37 = vector.shape_cast %get3A_36 : vector<16xf32> to vector<16xf32>
    %get3A_38 = arith.constant 192 : index
    %get3A_39 = tpu.vector_load %arg4[%get3A_38] {strides = array<i32>} : memref<256xf32, #tpu.memory_space<vmem>>, vector<16xf32>,
    %get3A_40 = vector.shape_cast %get3A_39 : vector<16xf32> to vector<16xf32>
    %get3A_41 = arith.constant 208 : index
    %get3A_42 = tpu.vector_load %arg4[%get3A_41] {strides = array<i32>} : memref<256xf32, #tpu.memory_space<vmem>>, vector<16xf32>,
    %get3A_43 = vector.shape_cast %get3A_42 : vector<16xf32> to vector<16xf32>
    %get3A_44 = arith.constant 224 : index
    %get3A_45 = tpu.vector_load %arg4[%get3A_44] {strides = array<i32>} : memref<256xf32, #tpu.memory_space<vmem>>, vector<16xf32>,
    %get3A_46 = vector.shape_cast %get3A_45 : vector<16xf32> to vector<16xf32>
    %get3A_47 = arith.constant 240 : index
    %get3A_48 = tpu.vector_load %arg4[%get3A_47] {strides = array<i32>} : memref<256xf32, #tpu.memory_space<vmem>>, vector<16xf32>,
    %get3A_49 = vector.shape_cast %get3A_48 : vector<16xf32> to vector<16xf32>
    %scan3A = arith.constant 0 : i32
    %scan3A_50 = arith.constant 0 : i32
    %scan3A_51 = arith.constant 256 : i32
    %scan3A_52 = arith.addi %scan3A_50, %scan3A_51 : i32
    %scan3A_53 = arith.constant 1 : i32
    scf.for %scan3A_67 = %scan3A_50 to %scan3A_52 step %scan3A_53  : i32 {
      %mul3A_68 = arith.constant 256 : i32
      %mul3A_69 = arith.muli %scan3A_67, %mul3A_68 : i32
      %add3A_70 = arith.constant 0 : i32
      %add3A_71 = arith.addi %mul3A_69, %add3A_70 : i32
      %swap3A = arith.index_cast %add3A_71 : i32 to index
      %swap3A_72 = tpu.vector_load %arg5[%swap3A] {strides = array<i32>} : memref<65536xf32, #tpu.memory_space<vmem>>, vector<16xf32>,
      %swap3A_73 = vector.shape_cast %swap3A_72 : vector<16xf32> to vector<16xf32>
      %swap3A_74 = vector.shape_cast %get3A_4 : vector<16xf32> to vector<16xf32>
      tpu.vector_store %arg5[%swap3A], %swap3A_74 {strides = array<i32>} : memref<65536xf32, #tpu.memory_space<vmem>>, vector<16xf32>,
      %mul3A_75 = arith.constant 256 : i32
      %mul3A_76 = arith.muli %scan3A_67, %mul3A_75 : i32
      %add3A_77 = arith.constant 16 : i32
      %add3A_78 = arith.addi %mul3A_76, %add3A_77 : i32
      %swap3A_79 = arith.index_cast %add3A_78 : i32 to index
      %swap3A_80 = tpu.vector_load %arg5[%swap3A_79] {strides = array<i32>} : memref<65536xf32, #tpu.memory_space<vmem>>, vector<16xf32>,
      %swap3A_81 = vector.shape_cast %swap3A_80 : vector<16xf32> to vector<16xf32>
      %swap3A_82 = vector.shape_cast %get3A_7 : vector<16xf32> to vector<16xf32>
      tpu.vector_store %arg5[%swap3A_79], %swap3A_82 {strides = array<i32>} : memref<65536xf32, #tpu.memory_space<vmem>>, vector<16xf32>,
      %mul3A_83 = arith.constant 256 : i32
      %mul3A_84 = arith.muli %scan3A_67, %mul3A_83 : i32
      %add3A_85 = arith.constant 32 : i32
      %add3A_86 = arith.addi %mul3A_84, %add3A_85 : i32
      %swap3A_87 = arith.index_cast %add3A_86 : i32 to index
      %swap3A_88 = tpu.vector_load %arg5[%swap3A_87] {strides = array<i32>} : memref<65536xf32, #tpu.memory_space<vmem>>, vector<16xf32>,
      %swap3A_89 = vector.shape_cast %swap3A_88 : vector<16xf32> to vector<16xf32>
      %swap3A_90 = vector.shape_cast %get3A_10 : vector<16xf32> to vector<16xf32>
      tpu.vector_store %arg5[%swap3A_87], %swap3A_90 {strides = array<i32>} : memref<65536xf32, #tpu.memory_space<vmem>>, vector<16xf32>,
      %mul3A_91 = arith.constant 256 : i32
      %mul3A_92 = arith.muli %scan3A_67, %mul3A_91 : i32
      %add3A_93 = arith.constant 48 : i32
      %add3A_94 = arith.addi %mul3A_92, %add3A_93 : i32
      %swap3A_95 = arith.index_cast %add3A_94 : i32 to index
      %swap3A_96 = tpu.vector_load %arg5[%swap3A_95] {strides = array<i32>} : memref<65536xf32, #tpu.memory_space<vmem>>, vector<16xf32>,
      %swap3A_97 = vector.shape_cast %swap3A_96 : vector<16xf32> to vector<16xf32>
      %swap3A_98 = vector.shape_cast %get3A_13 : vector<16xf32> to vector<16xf32>
      tpu.vector_store %arg5[%swap3A_95], %swap3A_98 {strides = array<i32>} : memref<65536xf32, #tpu.memory_space<vmem>>, vector<16xf32>,
      %mul3A_99 = arith.constant 256 : i32
      %mul3A_100 = arith.muli %scan3A_67, %mul3A_99 : i32
      %add3A_101 = arith.constant 64 : i32
      %add3A_102 = arith.addi %mul3A_100, %add3A_101 : i32
      %swap3A_103 = arith.index_cast %add3A_102 : i32 to index
      %swap3A_104 = tpu.vector_load %arg5[%swap3A_103] {strides = array<i32>} : memref<65536xf32, #tpu.memory_space<vmem>>, vector<16xf32>,
      %swap3A_105 = vector.shape_cast %swap3A_104 : vector<16xf32> to vector<16xf32>
      %swap3A_106 = vector.shape_cast %get3A_16 : vector<16xf32> to vector<16xf32>
      tpu.vector_store %arg5[%swap3A_103], %swap3A_106 {strides = array<i32>} : memref<65536xf32, #tpu.memory_space<vmem>>, vector<16xf32>,
      %mul3A_107 = arith.constant 256 : i32
      %mul3A_108 = arith.muli %scan3A_67, %mul3A_107 : i32
      %add3A_109 = arith.constant 80 : i32
      %add3A_110 = arith.addi %mul3A_108, %add3A_109 : i32
      %swap3A_111 = arith.index_cast %add3A_110 : i32 to index
      %swap3A_112 = tpu.vector_load %arg5[%swap3A_111] {strides = array<i32>} : memref<65536xf32, #tpu.memory_space<vmem>>, vector<16xf32>,
      %swap3A_113 = vector.shape_cast %swap3A_112 : vector<16xf32> to vector<16xf32>
      %swap3A_114 = vector.shape_cast %get3A_19 : vector<16xf32> to vector<16xf32>
      tpu.vector_store %arg5[%swap3A_111], %swap3A_114 {strides = array<i32>} : memref<65536xf32, #tpu.memory_space<vmem>>, vector<16xf32>,
      %mul3A_115 = arith.constant 256 : i32
      %mul3A_116 = arith.muli %scan3A_67, %mul3A_115 : i32
      %add3A_117 = arith.constant 96 : i32
      %add3A_118 = arith.addi %mul3A_116, %add3A_117 : i32
      %swap3A_119 = arith.index_cast %add3A_118 : i32 to index
      %swap3A_120 = tpu.vector_load %arg5[%swap3A_119] {strides = array<i32>} : memref<65536xf32, #tpu.memory_space<vmem>>, vector<16xf32>,
      %swap3A_121 = vector.shape_cast %swap3A_120 : vector<16xf32> to vector<16xf32>
      %swap3A_122 = vector.shape_cast %get3A_22 : vector<16xf32> to vector<16xf32>
      tpu.vector_store %arg5[%swap3A_119], %swap3A_122 {strides = array<i32>} : memref<65536xf32, #tpu.memory_space<vmem>>, vector<16xf32>,
      %mul3A_123 = arith.constant 256 : i32
      %mul3A_124 = arith.muli %scan3A_67, %mul3A_123 : i32
      %add3A_125 = arith.constant 112 : i32
      %add3A_126 = arith.addi %mul3A_124, %add3A_125 : i32
      %swap3A_127 = arith.index_cast %add3A_126 : i32 to index
      %swap3A_128 = tpu.vector_load %arg5[%swap3A_127] {strides = array<i32>} : memref<65536xf32, #tpu.memory_space<vmem>>, vector<16xf32>,
      %swap3A_129 = vector.shape_cast %swap3A_128 : vector<16xf32> to vector<16xf32>
      %swap3A_130 = vector.shape_cast %get3A_25 : vector<16xf32> to vector<16xf32>
      tpu.vector_store %arg5[%swap3A_127], %swap3A_130 {strides = array<i32>} : memref<65536xf32, #tpu.memory_space<vmem>>, vector<16xf32>,
      %mul3A_131 = arith.constant 256 : i32
      %mul3A_132 = arith.muli %scan3A_67, %mul3A_131 : i32
      %add3A_133 = arith.constant 128 : i32
      %add3A_134 = arith.addi %mul3A_132, %add3A_133 : i32
      %swap3A_135 = arith.index_cast %add3A_134 : i32 to index
      %swap3A_136 = tpu.vector_load %arg5[%swap3A_135] {strides = array<i32>} : memref<65536xf32, #tpu.memory_space<vmem>>, vector<16xf32>,
      %swap3A_137 = vector.shape_cast %swap3A_136 : vector<16xf32> to vector<16xf32>
      %swap3A_138 = vector.shape_cast %get3A_28 : vector<16xf32> to vector<16xf32>
      tpu.vector_store %arg5[%swap3A_135], %swap3A_138 {strides = array<i32>} : memref<65536xf32, #tpu.memory_space<vmem>>, vector<16xf32>,
      %mul3A_139 = arith.constant 256 : i32
      %mul3A_140 = arith.muli %scan3A_67, %mul3A_139 : i32
      %add3A_141 = arith.constant 144 : i32
      %add3A_142 = arith.addi %mul3A_140, %add3A_141 : i32
      %swap3A_143 = arith.index_cast %add3A_142 : i32 to index
      %swap3A_144 = tpu.vector_load %arg5[%swap3A_143] {strides = array<i32>} : memref<65536xf32, #tpu.memory_space<vmem>>, vector<16xf32>,
      %swap3A_145 = vector.shape_cast %swap3A_144 : vector<16xf32> to vector<16xf32>
      %swap3A_146 = vector.shape_cast %get3A_31 : vector<16xf32> to vector<16xf32>
      tpu.vector_store %arg5[%swap3A_143], %swap3A_146 {strides = array<i32>} : memref<65536xf32, #tpu.memory_space<vmem>>, vector<16xf32>,
      %mul3A_147 = arith.constant 256 : i32
      %mul3A_148 = arith.muli %scan3A_67, %mul3A_147 : i32
      %add3A_149 = arith.constant 160 : i32
      %add3A_150 = arith.addi %mul3A_148, %add3A_149 : i32
      %swap3A_151 = arith.index_cast %add3A_150 : i32 to index
      %swap3A_152 = tpu.vector_load %arg5[%swap3A_151] {strides = array<i32>} : memref<65536xf32, #tpu.memory_space<vmem>>, vector<16xf32>,
      %swap3A_153 = vector.shape_cast %swap3A_152 : vector<16xf32> to vector<16xf32>
      %swap3A_154 = vector.shape_cast %get3A_34 : vector<16xf32> to vector<16xf32>
      tpu.vector_store %arg5[%swap3A_151], %swap3A_154 {strides = array<i32>} : memref<65536xf32, #tpu.memory_space<vmem>>, vector<16xf32>,
      %mul3A_155 = arith.constant 256 : i32
      %mul3A_156 = arith.muli %scan3A_67, %mul3A_155 : i32
      %add3A_157 = arith.constant 176 : i32
      %add3A_158 = arith.addi %mul3A_156, %add3A_157 : i32
      %swap3A_159 = arith.index_cast %add3A_158 : i32 to index
      %swap3A_160 = tpu.vector_load %arg5[%swap3A_159] {strides = array<i32>} : memref<65536xf32, #tpu.memory_space<vmem>>, vector<16xf32>,
      %swap3A_161 = vector.shape_cast %swap3A_160 : vector<16xf32> to vector<16xf32>
      %swap3A_162 = vector.shape_cast %get3A_37 : vector<16xf32> to vector<16xf32>
      tpu.vector_store %arg5[%swap3A_159], %swap3A_162 {strides = array<i32>} : memref<65536xf32, #tpu.memory_space<vmem>>, vector<16xf32>,
      %mul3A_163 = arith.constant 256 : i32
      %mul3A_164 = arith.muli %scan3A_67, %mul3A_163 : i32
      %add3A_165 = arith.constant 192 : i32
      %add3A_166 = arith.addi %mul3A_164, %add3A_165 : i32
      %swap3A_167 = arith.index_cast %add3A_166 : i32 to index
      %swap3A_168 = tpu.vector_load %arg5[%swap3A_167] {strides = array<i32>} : memref<65536xf32, #tpu.memory_space<vmem>>, vector<16xf32>,
      %swap3A_169 = vector.shape_cast %swap3A_168 : vector<16xf32> to vector<16xf32>
      %swap3A_170 = vector.shape_cast %get3A_40 : vector<16xf32> to vector<16xf32>
      tpu.vector_store %arg5[%swap3A_167], %swap3A_170 {strides = array<i32>} : memref<65536xf32, #tpu.memory_space<vmem>>, vector<16xf32>,
      %mul3A_171 = arith.constant 256 : i32
      %mul3A_172 = arith.muli %scan3A_67, %mul3A_171 : i32
      %add3A_173 = arith.constant 208 : i32
      %add3A_174 = arith.addi %mul3A_172, %add3A_173 : i32
      %swap3A_175 = arith.index_cast %add3A_174 : i32 to index
      %swap3A_176 = tpu.vector_load %arg5[%swap3A_175] {strides = array<i32>} : memref<65536xf32, #tpu.memory_space<vmem>>, vector<16xf32>,
      %swap3A_177 = vector.shape_cast %swap3A_176 : vector<16xf32> to vector<16xf32>
      %swap3A_178 = vector.shape_cast %get3A_43 : vector<16xf32> to vector<16xf32>
      tpu.vector_store %arg5[%swap3A_175], %swap3A_178 {strides = array<i32>} : memref<65536xf32, #tpu.memory_space<vmem>>, vector<16xf32>,
      %mul3A_179 = arith.constant 256 : i32
      %mul3A_180 = arith.muli %scan3A_67, %mul3A_179 : i32
      %add3A_181 = arith.constant 224 : i32
      %add3A_182 = arith.addi %mul3A_180, %add3A_181 : i32
      %swap3A_183 = arith.index_cast %add3A_182 : i32 to index
      %swap3A_184 = tpu.vector_load %arg5[%swap3A_183] {strides = array<i32>} : memref<65536xf32, #tpu.memory_space<vmem>>, vector<16xf32>,
      %swap3A_185 = vector.shape_cast %swap3A_184 : vector<16xf32> to vector<16xf32>
      %swap3A_186 = vector.shape_cast %get3A_46 : vector<16xf32> to vector<16xf32>
      tpu.vector_store %arg5[%swap3A_183], %swap3A_186 {strides = array<i32>} : memref<65536xf32, #tpu.memory_space<vmem>>, vector<16xf32>,
      %mul3A_187 = arith.constant 256 : i32
      %mul3A_188 = arith.muli %scan3A_67, %mul3A_187 : i32
      %add3A_189 = arith.constant 240 : i32
      %add3A_190 = arith.addi %mul3A_188, %add3A_189 : i32
      %swap3A_191 = arith.index_cast %add3A_190 : i32 to index
      %swap3A_192 = tpu.vector_load %arg5[%swap3A_191] {strides = array<i32>} : memref<65536xf32, #tpu.memory_space<vmem>>, vector<16xf32>,
      %swap3A_193 = vector.shape_cast %swap3A_192 : vector<16xf32> to vector<16xf32>
      %swap3A_194 = vector.shape_cast %get3A_49 : vector<16xf32> to vector<16xf32>
      tpu.vector_store %arg5[%swap3A_191], %swap3A_194 {strides = array<i32>} : memref<65536xf32, #tpu.memory_space<vmem>>, vector<16xf32>,
    }
    %scan3A_54 = arith.constant 256 : i32
    %scan3A_55 = arith.constant 0 : i32
    %scan3A_56 = arith.constant 0 : i32
    %scan3A_57 = arith.constant 16 : i32
    %scan3A_58 = arith.addi %scan3A_56, %scan3A_57 : i32
    %scan3A_59 = arith.constant 1 : i32
    scf.for %scan3A_67 = %scan3A_56 to %scan3A_58 step %scan3A_59  : i32 {
      %mul3A_68 = arith.constant 65536 : i32
      %mul3A_69 = arith.muli %scan3A_67, %mul3A_68 : i32
      %add3A_70 = arith.addi %mul3A_2, %mul3A_69 : i32
      %dma_start3A = tpu.memref_slice %arg3[%add3A_70] : memref<33554432xf32, #tpu.memory_space<hbm>> -> memref<65536xf32, #tpu.memory_space<hbm>>
      %dma_start3A_71 = tpu.memref_slice %arg3[%add3A_70] : memref<33554432xf32, #tpu.memory_space<hbm>> -> memref<65536xf32, #tpu.memory_space<hbm>>
      tpu.enqueue_dma source(%arg5 : memref<65536xf32, #tpu.memory_space<vmem>>) target(%dma_start3A_71 : memref<65536xf32, #tpu.memory_space<hbm>>) target_semaphore(%arg6 : memref<!tpu.dma_semaphore, #tpu.memory_space<semaphore_mem>>)
    }
    %scan3A_60 = arith.constant 16 : i32
    %scan3A_61 = arith.constant 0 : i32
    %scan3A_62 = arith.constant 0 : i32
    %scan3A_63 = arith.constant 16 : i32
    %scan3A_64 = arith.addi %scan3A_62, %scan3A_63 : i32
    %scan3A_65 = arith.constant 1 : i32
    scf.for %scan3A_67 = %scan3A_62 to %scan3A_64 step %scan3A_65  : i32 {
      %dma_wait3A = tpu.memref_slice %arg3[%mul3A_2] : memref<33554432xf32, #tpu.memory_space<hbm>> -> memref<65536xf32, #tpu.memory_space<hbm>>
      %dma_wait3A_68 = tpu.memref_slice %arg3[%mul3A_2] : memref<33554432xf32, #tpu.memory_space<hbm>> -> memref<65536xf32, #tpu.memory_space<hbm>>
      tpu.wait_dma2 semaphore(%arg6 : memref<!tpu.dma_semaphore, #tpu.memory_space<semaphore_mem>>) src(%arg5 : memref<65536xf32, #tpu.memory_space<vmem>>) dst(%dma_wait3A_68 : memref<65536xf32, #tpu.memory_space<hbm>>)
    }
    %scan3A_66 = arith.constant 16 : i32
    return
  }
}

module attributes {stable_mosaic.version = 14 : i64} {
  func.func @_tc_body(%arg0: i32, %arg1: memref<8x256xf32, #tpu.memory_space<vmem>>, %arg2: memref<8x256xf32, #tpu.memory_space<vmem>>, %arg3: memref<1x256xf32, #tpu.memory_space<vmem>>, %arg4: memref<1x256xf32, #tpu.memory_space<vmem>>, %arg5: memref<512x256x256xf32, #tpu.memory_space<any>>, %arg6: memref<6x8x256x256xf32, #tpu.memory_space<vmem>>, %arg7: memref<6x!tpu.dma_semaphore, #tpu.memory_space<semaphore_mem>>) attributes {dimension_semantics = [#tpu.dimension_semantics<arbitrary>], iteration_bounds = array<i64: 64>, scalar_prefetch = 0 : i64, scratch_operands = 2 : i64, tpu.core_type = #tpu.core_type<tc>, window_params = [{transform_indices = @transform_0, window_bounds = array<i64: 8, 256>}, {transform_indices = @transform_1, window_bounds = array<i64: 8, 256>}, {pipeline_mode = #tpu.pipeline_mode<synchronous>, transform_indices = @transform_2, window_bounds = array<i64: 1, 256>}, {pipeline_mode = #tpu.pipeline_mode<synchronous>, transform_indices = @transform_3, window_bounds = array<i64: 1, 256>}, {}]} {
    %rem3A = arith.constant 6 : i32
    %rem3A_0 = arith.remsi %arg0, %rem3A : i32
    %ge3A = arith.constant 6 : i32
    %ge3A_1 = arith.cmpi sge, %arg0, %ge3A : i32
    %convert_element_type3A = arith.extui %ge3A_1 : i1 to i32
    %cond3A = arith.constant 0 : i32
    %cond3A_2 = arith.cmpi ne, %convert_element_type3A, %cond3A : i32
    scf.if %cond3A_2 {
      %sub3A = arith.constant 6 : i32
      %sub3A_45 = arith.subi %arg0, %sub3A : i32
      %mul3A_46 = arith.constant 8 : i32
      %mul3A_47 = arith.muli %sub3A_45, %mul3A_46 : i32
      %dma_wait3A = tpu.memref_slice %arg7[%rem3A_0] : memref<6x!tpu.dma_semaphore, #tpu.memory_space<semaphore_mem>> -> memref<1x!tpu.dma_semaphore, #tpu.memory_space<semaphore_mem>>
      %dma_wait3A_48 = tpu.memref_squeeze %dma_wait3A : memref<1x!tpu.dma_semaphore, #tpu.memory_space<semaphore_mem>> -> memref<!tpu.dma_semaphore, #tpu.memory_space<semaphore_mem>>
      %dma_wait3A_49 = arith.constant 0 : i32
      %dma_wait3A_50 = arith.constant 0 : i32
      %dma_wait3A_51 = tpu.memref_slice %arg5[%mul3A_47, %dma_wait3A_49, %dma_wait3A_50] : memref<512x256x256xf32, #tpu.memory_space<any>> -> memref<8x256x256xf32, #tpu.memory_space<any>>
      %dma_wait3A_52 = arith.constant 0 : i32
      %dma_wait3A_53 = arith.constant 0 : i32
      %dma_wait3A_54 = arith.constant 0 : i32
      %dma_wait3A_55 = tpu.memref_slice %arg6[%rem3A_0, %dma_wait3A_52, %dma_wait3A_53, %dma_wait3A_54] : memref<6x8x256x256xf32, #tpu.memory_space<vmem>> -> memref<1x8x256x256xf32, #tpu.memory_space<vmem>>
      %dma_wait3A_56 = tpu.memref_squeeze %dma_wait3A_55 : memref<1x8x256x256xf32, #tpu.memory_space<vmem>> -> memref<8x256x256xf32, #tpu.memory_space<vmem>>
      tpu.wait_dma2 semaphore(%dma_wait3A_48 : memref<!tpu.dma_semaphore, #tpu.memory_space<semaphore_mem>>) src(%dma_wait3A_56 : memref<8x256x256xf32, #tpu.memory_space<vmem>>) dst(%dma_wait3A_51 : memref<8x256x256xf32, #tpu.memory_space<any>>)
    } else {
    }
    %get3A = arith.constant 0 : index
    %get3A_3 = arith.constant 0 : index
    %get3A_4 = vector.load %arg1[%get3A, %get3A_3] : memref<8x256xf32, #tpu.memory_space<vmem>>, vector<8x256xf32>
    %get3A_5 = arith.constant 0 : index
    %get3A_6 = arith.constant 0 : index
    %get3A_7 = vector.load %arg2[%get3A_5, %get3A_6] : memref<8x256xf32, #tpu.memory_space<vmem>>, vector<8x256xf32>
    %get3A_8 = arith.constant 0 : index
    %get3A_9 = arith.constant 0 : index
    %get3A_10 = vector.load %arg3[%get3A_8, %get3A_9] : memref<1x256xf32, #tpu.memory_space<vmem>>, vector<1x256xf32>
    %get3A_11 = vector.shape_cast %get3A_10 : vector<1x256xf32> to vector<256xf32>
    %get3A_12 = arith.constant 0 : index
    %get3A_13 = arith.constant 0 : index
    %get3A_14 = vector.load %arg4[%get3A_12, %get3A_13] : memref<1x256xf32, #tpu.memory_space<vmem>>, vector<1x256xf32>
    %get3A_15 = vector.shape_cast %get3A_14 : vector<1x256xf32> to vector<256xf32>
    %broadcast_in_dim3A = vector.shape_cast %get3A_4 : vector<8x256xf32> to vector<8x256x1xf32>
    %broadcast_in_dim3A_16 = vector.shape_cast %get3A_11 : vector<256xf32> to vector<1x1x256xf32>
    %mul3A = vector.broadcast %broadcast_in_dim3A : vector<8x256x1xf32> to vector<8x256x256xf32>
    %mul3A_17 = vector.broadcast %broadcast_in_dim3A_16 : vector<1x1x256xf32> to vector<8x256x256xf32>
    %mul3A_18 = arith.mulf %mul3A, %mul3A_17 : vector<8x256x256xf32>
    %broadcast_in_dim3A_19 = vector.shape_cast %get3A_15 : vector<256xf32> to vector<1x1x256xf32>
    %add3A = vector.broadcast %broadcast_in_dim3A_19 : vector<1x1x256xf32> to vector<8x256x256xf32>
    %add3A_20 = arith.addf %mul3A_18, %add3A : vector<8x256x256xf32>
    %broadcast_in_dim3A_21 = vector.shape_cast %get3A_7 : vector<8x256xf32> to vector<8x256x1xf32>
    %mul3A_22 = vector.broadcast %broadcast_in_dim3A_21 : vector<8x256x1xf32> to vector<8x256x256xf32>
    %mul3A_23 = arith.mulf %add3A_20, %mul3A_22 : vector<8x256x256xf32>
    %swap3A = arith.index_cast %rem3A_0 : i32 to index
    %swap3A_24 = arith.constant 0 : index
    %swap3A_25 = arith.constant 0 : index
    %swap3A_26 = arith.constant 0 : index
    %swap3A_27 = vector.load %arg6[%swap3A, %swap3A_24, %swap3A_25, %swap3A_26] : memref<6x8x256x256xf32, #tpu.memory_space<vmem>>, vector<1x8x256x256xf32>
    %swap3A_28 = vector.shape_cast %swap3A_27 : vector<1x8x256x256xf32> to vector<8x256x256xf32>
    %swap3A_29 = vector.shape_cast %mul3A_23 : vector<8x256x256xf32> to vector<1x8x256x256xf32>
    tpu.vector_store %arg6[%swap3A, %swap3A_24, %swap3A_25, %swap3A_26], %swap3A_29 {strides = array<i32>} : memref<6x8x256x256xf32, #tpu.memory_space<vmem>>, vector<1x8x256x256xf32>,
    %mul3A_30 = arith.constant 8 : i32
    %mul3A_31 = arith.muli %arg0, %mul3A_30 : i32
    %dma_start3A = tpu.memref_slice %arg7[%rem3A_0] : memref<6x!tpu.dma_semaphore, #tpu.memory_space<semaphore_mem>> -> memref<1x!tpu.dma_semaphore, #tpu.memory_space<semaphore_mem>>
    %dma_start3A_32 = tpu.memref_squeeze %dma_start3A : memref<1x!tpu.dma_semaphore, #tpu.memory_space<semaphore_mem>> -> memref<!tpu.dma_semaphore, #tpu.memory_space<semaphore_mem>>
    %dma_start3A_33 = arith.constant 0 : i32
    %dma_start3A_34 = arith.constant 0 : i32
    %dma_start3A_35 = tpu.memref_slice %arg5[%mul3A_31, %dma_start3A_33, %dma_start3A_34] : memref<512x256x256xf32, #tpu.memory_space<any>> -> memref<8x256x256xf32, #tpu.memory_space<any>>
    %dma_start3A_36 = arith.constant 0 : i32
    %dma_start3A_37 = arith.constant 0 : i32
    %dma_start3A_38 = arith.constant 0 : i32
    %dma_start3A_39 = tpu.memref_slice %arg6[%rem3A_0, %dma_start3A_36, %dma_start3A_37, %dma_start3A_38] : memref<6x8x256x256xf32, #tpu.memory_space<vmem>> -> memref<1x8x256x256xf32, #tpu.memory_space<vmem>>
    %dma_start3A_40 = tpu.memref_squeeze %dma_start3A_39 : memref<1x8x256x256xf32, #tpu.memory_space<vmem>> -> memref<8x256x256xf32, #tpu.memory_space<vmem>>
    tpu.enqueue_dma source(%dma_start3A_40 : memref<8x256x256xf32, #tpu.memory_space<vmem>>) target(%dma_start3A_35 : memref<8x256x256xf32, #tpu.memory_space<any>>) target_semaphore(%dma_start3A_32 : memref<!tpu.dma_semaphore, #tpu.memory_space<semaphore_mem>>)
    %eq3A = arith.constant 63 : i32
    %eq3A_41 = arith.cmpi eq, %arg0, %eq3A : i32
    %convert_element_type3A_42 = arith.extui %eq3A_41 : i1 to i32
    %cond3A_43 = arith.constant 0 : i32
    %cond3A_44 = arith.cmpi ne, %convert_element_type3A_42, %cond3A_43 : i32
    scf.if %cond3A_44 {
      %sub3A = arith.constant 0 : i32
      %sub3A_45 = arith.subi %arg0, %sub3A : i32
      %rem3A_46 = arith.constant 6 : i32
      %rem3A_47 = arith.remsi %sub3A_45, %rem3A_46 : i32
      %sub3A_48 = arith.constant 0 : i32
      %sub3A_49 = arith.subi %arg0, %sub3A_48 : i32
      %mul3A_50 = arith.constant 8 : i32
      %mul3A_51 = arith.muli %sub3A_49, %mul3A_50 : i32
      %dma_wait3A = tpu.memref_slice %arg7[%rem3A_47] : memref<6x!tpu.dma_semaphore, #tpu.memory_space<semaphore_mem>> -> memref<1x!tpu.dma_semaphore, #tpu.memory_space<semaphore_mem>>
      %dma_wait3A_52 = tpu.memref_squeeze %dma_wait3A : memref<1x!tpu.dma_semaphore, #tpu.memory_space<semaphore_mem>> -> memref<!tpu.dma_semaphore, #tpu.memory_space<semaphore_mem>>
      %dma_wait3A_53 = arith.constant 0 : i32
      %dma_wait3A_54 = arith.constant 0 : i32
      %dma_wait3A_55 = tpu.memref_slice %arg5[%mul3A_51, %dma_wait3A_53, %dma_wait3A_54] : memref<512x256x256xf32, #tpu.memory_space<any>> -> memref<8x256x256xf32, #tpu.memory_space<any>>
      %dma_wait3A_56 = arith.constant 0 : i32
      %dma_wait3A_57 = arith.constant 0 : i32
      %dma_wait3A_58 = arith.constant 0 : i32
      %dma_wait3A_59 = tpu.memref_slice %arg6[%rem3A_47, %dma_wait3A_56, %dma_wait3A_57, %dma_wait3A_58] : memref<6x8x256x256xf32, #tpu.memory_space<vmem>> -> memref<1x8x256x256xf32, #tpu.memory_space<vmem>>
      %dma_wait3A_60 = tpu.memref_squeeze %dma_wait3A_59 : memref<1x8x256x256xf32, #tpu.memory_space<vmem>> -> memref<8x256x256xf32, #tpu.memory_space<vmem>>
      tpu.wait_dma2 semaphore(%dma_wait3A_52 : memref<!tpu.dma_semaphore, #tpu.memory_space<semaphore_mem>>) src(%dma_wait3A_60 : memref<8x256x256xf32, #tpu.memory_space<vmem>>) dst(%dma_wait3A_55 : memref<8x256x256xf32, #tpu.memory_space<any>>)
      %sub3A_61 = arith.constant 1 : i32
      %sub3A_62 = arith.subi %arg0, %sub3A_61 : i32
      %rem3A_63 = arith.constant 6 : i32
      %rem3A_64 = arith.remsi %sub3A_62, %rem3A_63 : i32
      %sub3A_65 = arith.constant 1 : i32
      %sub3A_66 = arith.subi %arg0, %sub3A_65 : i32
      %mul3A_67 = arith.constant 8 : i32
      %mul3A_68 = arith.muli %sub3A_66, %mul3A_67 : i32
      %dma_wait3A_69 = tpu.memref_slice %arg7[%rem3A_64] : memref<6x!tpu.dma_semaphore, #tpu.memory_space<semaphore_mem>> -> memref<1x!tpu.dma_semaphore, #tpu.memory_space<semaphore_mem>>
      %dma_wait3A_70 = tpu.memref_squeeze %dma_wait3A_69 : memref<1x!tpu.dma_semaphore, #tpu.memory_space<semaphore_mem>> -> memref<!tpu.dma_semaphore, #tpu.memory_space<semaphore_mem>>
      %dma_wait3A_71 = arith.constant 0 : i32
      %dma_wait3A_72 = arith.constant 0 : i32
      %dma_wait3A_73 = tpu.memref_slice %arg5[%mul3A_68, %dma_wait3A_71, %dma_wait3A_72] : memref<512x256x256xf32, #tpu.memory_space<any>> -> memref<8x256x256xf32, #tpu.memory_space<any>>
      %dma_wait3A_74 = arith.constant 0 : i32
      %dma_wait3A_75 = arith.constant 0 : i32
      %dma_wait3A_76 = arith.constant 0 : i32
      %dma_wait3A_77 = tpu.memref_slice %arg6[%rem3A_64, %dma_wait3A_74, %dma_wait3A_75, %dma_wait3A_76] : memref<6x8x256x256xf32, #tpu.memory_space<vmem>> -> memref<1x8x256x256xf32, #tpu.memory_space<vmem>>
      %dma_wait3A_78 = tpu.memref_squeeze %dma_wait3A_77 : memref<1x8x256x256xf32, #tpu.memory_space<vmem>> -> memref<8x256x256xf32, #tpu.memory_space<vmem>>
      tpu.wait_dma2 semaphore(%dma_wait3A_70 : memref<!tpu.dma_semaphore, #tpu.memory_space<semaphore_mem>>) src(%dma_wait3A_78 : memref<8x256x256xf32, #tpu.memory_space<vmem>>) dst(%dma_wait3A_73 : memref<8x256x256xf32, #tpu.memory_space<any>>)
      %sub3A_79 = arith.constant 2 : i32
      %sub3A_80 = arith.subi %arg0, %sub3A_79 : i32
      %rem3A_81 = arith.constant 6 : i32
      %rem3A_82 = arith.remsi %sub3A_80, %rem3A_81 : i32
      %sub3A_83 = arith.constant 2 : i32
      %sub3A_84 = arith.subi %arg0, %sub3A_83 : i32
      %mul3A_85 = arith.constant 8 : i32
      %mul3A_86 = arith.muli %sub3A_84, %mul3A_85 : i32
      %dma_wait3A_87 = tpu.memref_slice %arg7[%rem3A_82] : memref<6x!tpu.dma_semaphore, #tpu.memory_space<semaphore_mem>> -> memref<1x!tpu.dma_semaphore, #tpu.memory_space<semaphore_mem>>
      %dma_wait3A_88 = tpu.memref_squeeze %dma_wait3A_87 : memref<1x!tpu.dma_semaphore, #tpu.memory_space<semaphore_mem>> -> memref<!tpu.dma_semaphore, #tpu.memory_space<semaphore_mem>>
      %dma_wait3A_89 = arith.constant 0 : i32
      %dma_wait3A_90 = arith.constant 0 : i32
      %dma_wait3A_91 = tpu.memref_slice %arg5[%mul3A_86, %dma_wait3A_89, %dma_wait3A_90] : memref<512x256x256xf32, #tpu.memory_space<any>> -> memref<8x256x256xf32, #tpu.memory_space<any>>
      %dma_wait3A_92 = arith.constant 0 : i32
      %dma_wait3A_93 = arith.constant 0 : i32
      %dma_wait3A_94 = arith.constant 0 : i32
      %dma_wait3A_95 = tpu.memref_slice %arg6[%rem3A_82, %dma_wait3A_92, %dma_wait3A_93, %dma_wait3A_94] : memref<6x8x256x256xf32, #tpu.memory_space<vmem>> -> memref<1x8x256x256xf32, #tpu.memory_space<vmem>>
      %dma_wait3A_96 = tpu.memref_squeeze %dma_wait3A_95 : memref<1x8x256x256xf32, #tpu.memory_space<vmem>> -> memref<8x256x256xf32, #tpu.memory_space<vmem>>
      tpu.wait_dma2 semaphore(%dma_wait3A_88 : memref<!tpu.dma_semaphore, #tpu.memory_space<semaphore_mem>>) src(%dma_wait3A_96 : memref<8x256x256xf32, #tpu.memory_space<vmem>>) dst(%dma_wait3A_91 : memref<8x256x256xf32, #tpu.memory_space<any>>)
      %sub3A_97 = arith.constant 3 : i32
      %sub3A_98 = arith.subi %arg0, %sub3A_97 : i32
      %rem3A_99 = arith.constant 6 : i32
      %rem3A_100 = arith.remsi %sub3A_98, %rem3A_99 : i32
      %sub3A_101 = arith.constant 3 : i32
      %sub3A_102 = arith.subi %arg0, %sub3A_101 : i32
      %mul3A_103 = arith.constant 8 : i32
      %mul3A_104 = arith.muli %sub3A_102, %mul3A_103 : i32
      %dma_wait3A_105 = tpu.memref_slice %arg7[%rem3A_100] : memref<6x!tpu.dma_semaphore, #tpu.memory_space<semaphore_mem>> -> memref<1x!tpu.dma_semaphore, #tpu.memory_space<semaphore_mem>>
      %dma_wait3A_106 = tpu.memref_squeeze %dma_wait3A_105 : memref<1x!tpu.dma_semaphore, #tpu.memory_space<semaphore_mem>> -> memref<!tpu.dma_semaphore, #tpu.memory_space<semaphore_mem>>
      %dma_wait3A_107 = arith.constant 0 : i32
      %dma_wait3A_108 = arith.constant 0 : i32
      %dma_wait3A_109 = tpu.memref_slice %arg5[%mul3A_104, %dma_wait3A_107, %dma_wait3A_108] : memref<512x256x256xf32, #tpu.memory_space<any>> -> memref<8x256x256xf32, #tpu.memory_space<any>>
      %dma_wait3A_110 = arith.constant 0 : i32
      %dma_wait3A_111 = arith.constant 0 : i32
      %dma_wait3A_112 = arith.constant 0 : i32
      %dma_wait3A_113 = tpu.memref_slice %arg6[%rem3A_100, %dma_wait3A_110, %dma_wait3A_111, %dma_wait3A_112] : memref<6x8x256x256xf32, #tpu.memory_space<vmem>> -> memref<1x8x256x256xf32, #tpu.memory_space<vmem>>
      %dma_wait3A_114 = tpu.memref_squeeze %dma_wait3A_113 : memref<1x8x256x256xf32, #tpu.memory_space<vmem>> -> memref<8x256x256xf32, #tpu.memory_space<vmem>>
      tpu.wait_dma2 semaphore(%dma_wait3A_106 : memref<!tpu.dma_semaphore, #tpu.memory_space<semaphore_mem>>) src(%dma_wait3A_114 : memref<8x256x256xf32, #tpu.memory_space<vmem>>) dst(%dma_wait3A_109 : memref<8x256x256xf32, #tpu.memory_space<any>>)
      %sub3A_115 = arith.constant 4 : i32
      %sub3A_116 = arith.subi %arg0, %sub3A_115 : i32
      %rem3A_117 = arith.constant 6 : i32
      %rem3A_118 = arith.remsi %sub3A_116, %rem3A_117 : i32
      %sub3A_119 = arith.constant 4 : i32
      %sub3A_120 = arith.subi %arg0, %sub3A_119 : i32
      %mul3A_121 = arith.constant 8 : i32
      %mul3A_122 = arith.muli %sub3A_120, %mul3A_121 : i32
      %dma_wait3A_123 = tpu.memref_slice %arg7[%rem3A_118] : memref<6x!tpu.dma_semaphore, #tpu.memory_space<semaphore_mem>> -> memref<1x!tpu.dma_semaphore, #tpu.memory_space<semaphore_mem>>
      %dma_wait3A_124 = tpu.memref_squeeze %dma_wait3A_123 : memref<1x!tpu.dma_semaphore, #tpu.memory_space<semaphore_mem>> -> memref<!tpu.dma_semaphore, #tpu.memory_space<semaphore_mem>>
      %dma_wait3A_125 = arith.constant 0 : i32
      %dma_wait3A_126 = arith.constant 0 : i32
      %dma_wait3A_127 = tpu.memref_slice %arg5[%mul3A_122, %dma_wait3A_125, %dma_wait3A_126] : memref<512x256x256xf32, #tpu.memory_space<any>> -> memref<8x256x256xf32, #tpu.memory_space<any>>
      %dma_wait3A_128 = arith.constant 0 : i32
      %dma_wait3A_129 = arith.constant 0 : i32
      %dma_wait3A_130 = arith.constant 0 : i32
      %dma_wait3A_131 = tpu.memref_slice %arg6[%rem3A_118, %dma_wait3A_128, %dma_wait3A_129, %dma_wait3A_130] : memref<6x8x256x256xf32, #tpu.memory_space<vmem>> -> memref<1x8x256x256xf32, #tpu.memory_space<vmem>>
      %dma_wait3A_132 = tpu.memref_squeeze %dma_wait3A_131 : memref<1x8x256x256xf32, #tpu.memory_space<vmem>> -> memref<8x256x256xf32, #tpu.memory_space<vmem>>
      tpu.wait_dma2 semaphore(%dma_wait3A_124 : memref<!tpu.dma_semaphore, #tpu.memory_space<semaphore_mem>>) src(%dma_wait3A_132 : memref<8x256x256xf32, #tpu.memory_space<vmem>>) dst(%dma_wait3A_127 : memref<8x256x256xf32, #tpu.memory_space<any>>)
      %sub3A_133 = arith.constant 5 : i32
      %sub3A_134 = arith.subi %arg0, %sub3A_133 : i32
      %rem3A_135 = arith.constant 6 : i32
      %rem3A_136 = arith.remsi %sub3A_134, %rem3A_135 : i32
      %sub3A_137 = arith.constant 5 : i32
      %sub3A_138 = arith.subi %arg0, %sub3A_137 : i32
      %mul3A_139 = arith.constant 8 : i32
      %mul3A_140 = arith.muli %sub3A_138, %mul3A_139 : i32
      %dma_wait3A_141 = tpu.memref_slice %arg7[%rem3A_136] : memref<6x!tpu.dma_semaphore, #tpu.memory_space<semaphore_mem>> -> memref<1x!tpu.dma_semaphore, #tpu.memory_space<semaphore_mem>>
      %dma_wait3A_142 = tpu.memref_squeeze %dma_wait3A_141 : memref<1x!tpu.dma_semaphore, #tpu.memory_space<semaphore_mem>> -> memref<!tpu.dma_semaphore, #tpu.memory_space<semaphore_mem>>
      %dma_wait3A_143 = arith.constant 0 : i32
      %dma_wait3A_144 = arith.constant 0 : i32
      %dma_wait3A_145 = tpu.memref_slice %arg5[%mul3A_140, %dma_wait3A_143, %dma_wait3A_144] : memref<512x256x256xf32, #tpu.memory_space<any>> -> memref<8x256x256xf32, #tpu.memory_space<any>>
      %dma_wait3A_146 = arith.constant 0 : i32
      %dma_wait3A_147 = arith.constant 0 : i32
      %dma_wait3A_148 = arith.constant 0 : i32
      %dma_wait3A_149 = tpu.memref_slice %arg6[%rem3A_136, %dma_wait3A_146, %dma_wait3A_147, %dma_wait3A_148] : memref<6x8x256x256xf32, #tpu.memory_space<vmem>> -> memref<1x8x256x256xf32, #tpu.memory_space<vmem>>
      %dma_wait3A_150 = tpu.memref_squeeze %dma_wait3A_149 : memref<1x8x256x256xf32, #tpu.memory_space<vmem>> -> memref<8x256x256xf32, #tpu.memory_space<vmem>>
      tpu.wait_dma2 semaphore(%dma_wait3A_142 : memref<!tpu.dma_semaphore, #tpu.memory_space<semaphore_mem>>) src(%dma_wait3A_150 : memref<8x256x256xf32, #tpu.memory_space<vmem>>) dst(%dma_wait3A_145 : memref<8x256x256xf32, #tpu.memory_space<any>>)
    } else {
    }
    return
  }
  func.func @transform_0(%arg0: i32) -> (i32, i32) {
    %c0_i32 = arith.constant 0 : i32
    %c0_i32_0 = arith.constant 0 : i32
    return %arg0, %c0_i32 : i32, i32
  }
  func.func @transform_1(%arg0: i32) -> (i32, i32) {
    %c0_i32 = arith.constant 0 : i32
    %c0_i32_0 = arith.constant 0 : i32
    return %arg0, %c0_i32 : i32, i32
  }
  func.func @transform_2(%arg0: i32) -> (i32, i32) {
    %c0_i32 = arith.constant 0 : i32
    %c0_i32_0 = arith.constant 0 : i32
    %c0_i32_1 = arith.constant 0 : i32
    return %c0_i32, %c0_i32_0 : i32, i32
  }
  func.func @transform_3(%arg0: i32) -> (i32, i32) {
    %c0_i32 = arith.constant 0 : i32
    %c0_i32_0 = arith.constant 0 : i32
    %c0_i32_1 = arith.constant 0 : i32
    return %c0_i32, %c0_i32_0 : i32, i32
  }
}

</mosaic_0001>

<sc_bundles>
// kernel: kernel.4.cloned.1.call-start
scs
__scs_entry_jumppad:
0x0: {  	(pc) =	sbr.rel $0x88, $3  }
0x1: {  	(tag) =	ssettag $0x0;
	lr =	simm.s32 $0x1  }
0x2: {  	[smem:$0x3F9C] =	sst lr;
	_ =	strace $0xD0000000  }
0x3: {  	_ = 	snop  }
0x4: {  	_ = 	snop  }
0x5: {  	_ = 	snop  }
0x6: {  	_ = 	snop  }
0x7: {  	_ = 	snop  }
__scs_overlays_trampoline_lowered:
0x8: {  	[smem:$0x3FAB] =	sst s0  }
0x9: {  	[smem:$0x3FAC] =	sst s1  }
0xa: {  	[smem:$0x3FAD] =	sst s2  }
0xb: {  	[smem:$0x3FAE] =	sst s3  }
0xc: {  	[smem:$0x3FAF] =	sst s4  }
0xd: {  	[smem:$0x3FB0] =	sst s5  }
0xe: {  	[smem:$0x3FB1] =	sst s6  }
0xf: {  	[smem:$0x3FB2] =	sst s7  }
0x10: {  	[smem:$0x3FB3] =	sst s8  }
0x11: {  	[smem:$0x3FB4] =	sst s9;
	s0 =	simm.s32 @!p0 $0x0  }
0x12: {  	s1 =	sld [smem:$0x3F9A];
	s0 =	simm.s32 @p0 $0x1  }
0x13: {  	[smem:$0x3FB5] =	sst s0;
	s0 =	simm.s32 @!p1 $0x0  }
0x14: {  	s2 =	sld [smem:$0x3F99];
	s0 =	simm.s32 @p1 $0x1  }
0x15: {  	[smem:$0x3FB6] =	sst s0;
	s0 =	simm.s32 @!p2 $0x0  }
0x16: {  	s3 =	sld [smem:$0x3FDB];
	s0 =	simm.s32 @p2 $0x1  }
0x17: {  	s4 =	simm.s32 $0x1BF5;
	[smem:$0x3FB8] =	sst s0  }
0x18: {  	s0 =	sld [smem:$0x3F9B];
	_ =	swait.ge [sflag:s4], $0x0  }
0x19: {  	s7 =	sld [smem:$0x3F9C]  }
0x1a: {  	s8 =	sadd.s32 $0xFFFFE003, lr  }
0x1b: {  	s9 =	sadd.s32 $0xFFFFFEF7, lr;
	s5 =	simm.s32 $0xFFFFFFFF;
	p2 =	slt.u32 s8, $0xFFFFF086  }
0x1c: {  	p1 =	slt.u32 s9, $0xF7A;
	s5 =	simm.s32 @!p2 $0x0  }
0x1d: {  	s5 =	simm.s32 @p1 $0x1;
	p0 =	seq.s32 s7, s2  }
0x1e: {  	s7 =	smul.u32 @!p0 $0xF7A, s2;
	p2 =	seq.s32 @!p0 s5, $0x0  }
0x1f: {  	s9 =	smul.u32 $0xF7A, s1;
	s8 =	simm.s32 @!p0 $0x1BF5;
	p2 =	por !p2, p0  }
0x20: {  	[sflag:s8] =	ssyncset.s32 @!p0 $0xFFFFF086;
	s6 =	sadd.s32 @!p0 s3, s7;
	s7 =	simm.s32 @!p0 $0x108  }
0x21: {  	s3 =	sadd.s32 s3, s9;
	s6 =	sadd.s32 @!p0 $0x88, s6;
	s7 =	simm.s32 @p2 $0x1082  }
0x22: {  	[simem:s7], [sflag:s8] =	dma.local @!p0 [hbm:s6], $0xF7A  }
0x23: {  	s9 =	sor.u32 $0xD0000000, s2;
	s6 =	simm.s32 $0x108;
	_ =	swait.ge @!p0 [sflag:s8], $0x0  }
0x24: {  	s3 =	sadd.s32 $0x88, s3;
	s6 =	simm.s32 @!p1 $0x1082;
	[sflag:s4] =	ssyncset.s32 $0xFFFFF086  }
0x25: {  	[simem:s6], [sflag:s4] =	dma.local [hbm:s3], $0xF7A  }
0x26: {  	[smem:$0x3F9C] =	sst s1;
	(tag) =	ssettag s2;
	_ =	strace s9  }
0x27: {  	s1 =	sld [smem:$0x3FAC]  }
0x28: {  	s2 =	sld [smem:$0x3FAD]  }
0x29: {  	s4 =	sld [smem:$0x3FAF]  }
0x2a: {  	p0 =	seq.s32 s5, $0x0;
	s5 =	sld [smem:$0x3FB0]  }
0x2b: {  	s6 =	sld [smem:$0x3FB1]  }
0x2c: {  	s7 =	sld [smem:$0x3FB2]  }
0x2d: {  	s3 =	simm.s32 $0x108;
	s8 =	sld [smem:$0x3FB3]  }
0x2e: {  	s3 =	simm.s32 @!p0 $0x1082;
	s9 =	sld [smem:$0x3FB4]  }
0x2f: {  	lr =	sadd.s32 s0, s3;
	s0 =	sld [smem:$0x3FAB]  }
0x30: {  	s3 =	sld [smem:$0x3FAE]  }
0x31: {  	[smem:$0x3FB7] =	sst s10  }
0x32: {  	s10 =	sld [smem:$0x3FB5];
	_ =	sdelay $0x3  }
0x33: {  	p0 =	seq.s32 s10, $0x1;
	s10 =	sld [smem:$0x3FB7];
	_ =	sdelay $0x3  }
0x34: {  	[smem:$0x3FB7] =	sst s10  }
0x35: {  	s10 =	sld [smem:$0x3FB6];
	_ =	sdelay $0x3  }
0x36: {  	p1 =	seq.s32 s10, $0x1;
	s10 =	sld [smem:$0x3FB7];
	_ =	sdelay $0x3  }
0x37: {  	[smem:$0x3FB7] =	sst s10  }
0x38: {  	s10 =	sld [smem:$0x3FB8]  }
0x39: {  	_ = 	snop;
	(pc) =	sbr.ind lr, $3  }
0x3a: {  	_ = 	snop  }
0x3b: {  	_ = 	snop  }
0x3c: {  	p2 =	seq.s32 s10, $0x1;
	s10 =	sld [smem:$0x3FB7]  }
0x3d: {  	_ =	shalt  }
0x3e: {  	_ =	shalt  }
0x3f: {  	_ =	shalt  }
0x40: {  	_ =	shalt  }
0x41: {  	_ =	shalt  }
0x42: {  	_ =	shalt  }
0x43: {  	_ =	shalt  }
0x44: {  	_ =	shalt  }
0x45: {  	_ =	shalt  }
0x46: {  	_ =	shalt  }
0x47: {  	_ =	shalt  }
0x48: {  	_ =	shalt  }
0x49: {  	_ =	shalt  }
0x4a: {  	_ =	shalt  }
0x4b: {  	_ =	shalt  }
0x4c: {  	_ =	shalt  }
0x4d: {  	_ =	shalt  }
0x4e: {  	_ =	shalt  }
0x4f: {  	_ =	shalt  }
0x50: {  	_ =	shalt  }
0x51: {  	_ =	shalt  }
0x52: {  	_ =	shalt  }
0x53: {  	_ =	shalt  }
0x54: {  	_ =	shalt  }
0x55: {  	_ =	shalt  }
0x56: {  	_ =	shalt  }
0x57: {  	_ =	shalt  }
0x58: {  	_ =	shalt  }
0x59: {  	_ =	shalt  }
0x5a: {  	_ =	shalt  }
0x5b: {  	_ =	shalt  }
0x5c: {  	_ =	shalt  }
0x5d: {  	_ =	shalt  }
0x5e: {  	_ =	shalt  }
0x5f: {  	_ =	shalt  }
0x60: {  	_ =	shalt  }
0x61: {  	_ =	shalt  }
0x62: {  	_ =	shalt  }
0x63: {  	_ =	shalt  }
0x64: {  	_ =	shalt  }
0x65: {  	_ =	shalt  }
0x66: {  	_ =	shalt  }
0x67: {  	_ =	shalt  }
0x68: {  	_ =	shalt  }
0x69: {  	_ =	shalt  }
0x6a: {  	_ =	shalt  }
0x6b: {  	_ =	shalt  }
0x6c: {  	_ =	shalt  }
0x6d: {  	_ =	shalt  }
0x6e: {  	_ =	shalt  }
0x6f: {  	_ =	shalt  }
0x70: {  	_ =	shalt  }
0x71: {  	_ =	shalt  }
0x72: {  	_ =	shalt  }
0x73: {  	_ =	shalt  }
0x74: {  	_ =	shalt  }
0x75: {  	_ =	shalt  }
0x76: {  	_ =	shalt  }
0x77: {  	_ =	shalt  }
0x78: {  	_ =	shalt  }
0x79: {  	_ =	shalt  }
0x7a: {  	_ =	shalt  }
0x7b: {  	_ =	shalt  }
0x7c: {  	_ =	shalt  }
0x7d: {  	_ =	shalt  }
0x7e: {  	_ =	shalt  }
0x7f: {  	_ =	shalt  }
0x80: {  	_ =	shalt  }
0x81: {  	_ =	shalt  }
0x82: {  	_ =	shalt  }
0x83: {  	_ =	shalt  }
0x84: {  	_ =	shalt  }
0x85: {  	_ =	shalt  }
0x86: {  	_ =	shalt  }
0x87: {  	_ =	shalt  }
.Lfunc_end0:
.L_simem_size_0:
called_computation_lowered:
.L_overlay_start_0:
0x88: {  	s2 =	sld [smem:$0x3FD9]  }
0x89: {  	s3 =	sld [smem:$0x3FFE];
	_ =	sdelay $0x1  }
0x8a: {  	s1 =	srdreg.scid  }
0x8b: {  	s0 =	sand.u32 $0x1, s1  }
0x8c: {  	s15 =	sshll.u32 s0, $0xA;
	s2 =	sadd.s32 s3, s2  }
0x8d: {  	s2 =	sadd.s32 s2, s15  }
0x8e: {  	[smem:$0x3FC3] =	sst s2  }
0x8f: {  	_ = 	snop  }
0x90: {  	s2 =	sld [smem:$0x3FD0];
	_ =	sdelay $0x2  }
0x91: {  	s4 =	simm.s32 $0xA;
	s5 =	simm.s32 $0x10;
	s16 =	sld [smem:$0x3FC5]  }
0x92: {  	[smem:s5], [sflag:s4] =	dma.local [hbm:s2], $0x1  }
0x93: {  	_ =	swait.eq [sflag:s4], $0x1  }
0x94: {  	[sflag:s4] =	ssyncset.done $0x0  }
0x95: {  	[sflag:s4] =	ssyncadd.s32 $0xFFFFFFFF  }
0x96: {  	s17 =	sld [smem:$0x11];
	(tm) =	ssettm $0x1  }
0x97: {  	s18 =	sld [smem:$0x3FFB];
	_ =	sdelay $0x3  }
0x98: {  	_ =	strace s18  }
0x99: {  	s4 =	sld [smem:$0x3FFC];
	_ =	sdelay $0x3  }
0x9a: {  	_ =	strace s4  }
0x9b: {  	s4 =	sld [smem:$0x3FFD];
	_ =	sdelay $0x3  }
0x9c: {  	_ =	strace s4  }
0x9d: {  	_ =	strace $0x8FFFFFFF  }
0x9e: {  	s19 =	sld [smem:$0x3FDB];
	_ =	sdelay $0x1  }
0x9f: {  	s20 =	simm.s32 $_scs_section_size  }
0xa0: {  	s6 =	simm.s32 $_size__tile_overlayer_lowered;
	s7 =	simm.s32 $_tile_overlayer_lowered  }
0xa1: {  	s23 =	simm.s32 $0x1BFF;
	s22 =	sshll.u32 s7, $0x1;
	s4 =	sadd.s32 s20, s19  }
0xa2: {  	s8 =	simm.s32 $0x0;
	s21 =	sshll.u32 s6, $0x1;
	s6 =	sadd.s32 s22, s4  }
0xa3: {  	[timem:s8], [sflag:s23] =	dma.local [hbm:s6], s21  }
0xa4: {  	_ =	swait.ge [sflag:s23], s21  }
0xa5: {  	s5 =	ssub.s32 $0x0, s21;
	[sflag:s23] =	ssyncset.done $0x0  }
0xa6: {  	[sflag:s23] =	ssyncadd.s32 s5;
	_ =	sdelay $0x1  }
0xa7: {  	s24 =	simm.s32 $0x1B8B  }
0xa8: {  	_ =	swait.ge [sflag:s24], $0x1  }
0xa9: {  	[sflag:s24] =	ssyncset.done $0x0  }
0xaa: {  	s25 =	simm.s32 $0x1B8E;
	[sflag:s24] =	ssyncadd.s32 $0xFFFFFFFF  }
0xab: {  	s26 =	simm.s32 $execute0_lowered;
	[smem:$0x3FD2] =	sst s25  }
0xac: {  	s5 =	sshll.u32 s26, $0x1;
	_ =	strace $0x80000046;
	[dreg:$0x1] =	wrdreg $0xFFFFFFFF  }
0xad: {  	s28 =	simm.s32 $_size_execute0_lowered;
	s4 =	sadd.s32 s4, s5;
	[dreg:$0x0] =	wrdreg $0x0  }
0xae: {  	s5 =	sshll.u32 s28, $0x1;
	[dreg:$0x2] =	wrdreg s4  }
0xaf: {  	[dreg:$0x3] =	wrdreg s5  }
0xb0: {  	[dreg:$0x4] =	wrdreg $0xC0  }
0xb1: {  	_ =	task [dreg:s8], $0x5FFFF  }
0xb2: {  	[dreg:$0x1] =	wrdreg $0xFFFFFFFF  }
0xb3: {  	[dreg:$0x0] =	wrdreg $0x60  }
0xb4: {  	[dreg:$0x2] =	wrdreg s16  }
0xb5: {  	[dreg:$0x3] =	wrdreg s17  }
0xb6: {  	[dreg:$0x4] =	wrdreg $0x9  }
0xb7: {  	_ =	task.clear_ibuf [dreg:s8], $0x5FFFF;
	_ =	strace $0x90000046  }
0xb8: {  	s29 =	simm.s32 $0x9;
	_ =	strace $0x80000048  }
0xb9: {  	_ =	swait.ge [sflag:s29], $0x1  }
0xba: {  	[sflag:s29] =	ssyncadd.s32 $0xFFFFFFFF  }
0xbb: {  	_ =	strace $0x90000048  }
0xbc: {  	_ =	sfence  }
0xbd: {  	s30 =	sld [smem:$0x0];
	_ =	sdelay $0x2  }
0xbe: {  	s31 =	sshll.u32 s1, $0xD;
	s1 =	sshrl.u32 s1, $0x2  }
0xbf: {  	s3 =	sand.u32 $0x4000, s31;
	s1 =	sadd.s32 s1, s30  }
0xc0: {  	s0 =	sor.u32 s3, s0;
	s1 =	sshll.u32 s1, $0x11  }
0xc1: {  	s0 =	sor.u32 s1, s0  }
0xc2: {  	s0 =	sadd.s32 $0x8F2B, s0  }
0xc3: {  	[sflag:s0] =	ssyncadd.remote.s32 $0x1  }
0xc4: {  	_ =	sfence.sel $0xFFFF  }
0xc5: {  	[dreg:$0x0] =	wrdreg $0xFFFFFFFF;
	(pc) =	sbr.abs _section_cstart, $3  }
0xc6: {  	[dreg:$0x1] =	wrdreg $0xFFFFFFFF  }
0xc7: {  	_ =	task.clear_ibuf [dreg:s8], $0x2FFFF;
	_ =	strace $0x9FFFFFFF  }
0xc8: {  	(tm) =	ssettm $0x7FFFFFFF  }
0xc9: {  	_ =	shalt  }
tec
execute0_lowered:
.L_overlay_start_1:
0x0: {  	(tag) =	ssettag $0x1  }
0x1: {  	s1 =	rddreg [dreg:$0x0]  }
0x2: {  	s4 =	rddreg [dreg:$0x1];
	s2 =	srdreg.scid  }
0x3: {  	s0 =	rddreg [dreg:$0x2];
	s3 =	simm.s32 $0x0;
	s21 =	simm.s32 $0x2  }
0x4: {  	s22 =	simm.s32 $0x100;
	s23 =	simm.s32 $0x1;
	s5 =	sand.u32 $0x1, s2  }
0x5: {  	s24 =	simm.s32 $0x0;
	s2 =	stileid.u32;
	s6 =	ssub.s32 $0x2, s5  }
0x6: {  	[smem:$0x7FF] =	sst s3;
	s5 =	sshll.u32 s5, $0x11;
	s7 =	sshrl.u32 s6, $0x1  }
0x7: {  	s8 =	sshll.u32 s2, $0x12;
	s4 =	sadd.s32 s4, s5;
	s31 =	ssub.s32 s6, s7  }
0x8: {  	_ =	strace $0x80000047;
	s4 =	sadd.s32 s8, s4;
	s5 =	smax.u32 s31, $0x1  }
0x9: {  	s6 =	sadd.s32 $0x2000, s4;
	s7 =	sadd.s32 $0x4000, s4;
	s8 =	sadd.s32 $0x6000, s4  }
0xa: {  	s9 =	sadd.s32 $0x8000, s4;
	s10 =	sadd.s32 $0xA000, s4;
	s11 =	sadd.s32 $0xC000, s4  }
0xb: {  	s12 =	sadd.s32 $0xE000, s4;
	s13 =	sadd.s32 $0x10000, s4;
	s14 =	sadd.s32 $0x12000, s4  }
0xc: {  	s15 =	sadd.s32 $0x14000, s4;
	s16 =	sadd.s32 $0x16000, s4;
	s17 =	sadd.s32 $0x18000, s4  }
0xd: {  	s18 =	sadd.s32 $0x1A000, s4;
	s19 =	sadd.s32 $0x1C000, s4;
	s20 =	sadd.s32 $0x1E000, s4  }
.LBB2_1:
0xe: {  	[tilespmem:s3], [sflag:$0x2] =	stream.linear.gather [hbm4b:s1+s3], $0x100, $0x38;
	[tilespmem:$0x10100] =	vst v63  }
0xf: {  	_ =	swait.ge [sflag:s21], $0x100  }
0x10: {  	[sflag:s21] =	ssyncset.done $0x0  }
0x11: {  	[sflag:s21] =	ssyncadd.s32 $0xFFFFFF00  }
0x12: {  	v0 =	vld [tilespmem:$0x0]  }
0x13: {  	v1 =	vld [tilespmem:$0x10]  }
0x14: {  	v2 =	vld [tilespmem:$0x20]  }
0x15: {  	v3 =	vld [tilespmem:$0x30]  }
0x16: {  	v4 =	vld [tilespmem:$0x40]  }
0x17: {  	v5 =	vld [tilespmem:$0x50]  }
0x18: {  	v6 =	vld [tilespmem:$0x60]  }
0x19: {  	v7 =	vld [tilespmem:$0x70]  }
0x1a: {  	v8 =	vld [tilespmem:$0x80]  }
0x1b: {  	v9 =	vld [tilespmem:$0x90]  }
0x1c: {  	v10 =	vld [tilespmem:$0xA0]  }
0x1d: {  	v15 =	vld [tilespmem:$0xF0]  }
0x1e: {  	v11 =	vld [tilespmem:$0xB0]  }
0x1f: {  	v12 =	vld [tilespmem:$0xC0]  }
0x20: {  	v13 =	vld [tilespmem:$0xD0]  }
0x21: {  	s25 =	simm.s32 $0x0;
	s26 =	simm.s32 $0x400;
	v14 =	vld [tilespmem:$0xE0]  }
.LBB2_2:
0x22: {  	p0 =	sne.s32 s26, $0x3FC00;
	[tilespmem:s25+$0x1F0] =	vst v15  }
0x23: {  	[tilespmem:s25+$0x100] =	vst v0  }
0x24: {  	[tilespmem:s25+$0x110] =	vst v1  }
0x25: {  	[tilespmem:s25+$0x120] =	vst v2  }
0x26: {  	[tilespmem:s25+$0x130] =	vst v3  }
0x27: {  	[tilespmem:s25+$0x140] =	vst v4  }
0x28: {  	[tilespmem:s25+$0x150] =	vst v5  }
0x29: {  	[tilespmem:s25+$0x160] =	vst v6  }
0x2a: {  	[tilespmem:s25+$0x170] =	vst v7  }
0x2b: {  	[tilespmem:s25+$0x180] =	vst v8  }
0x2c: {  	[tilespmem:s25+$0x190] =	vst v9  }
.Ltmp0:
0x2d: {  	[tilespmem:s25+$0x1A0] =	vst v10;
	(pc) =	sbr.rel @p0 .LBB2_2-.Ltmp0, $4  }
0x2e: {  	[tilespmem:s25+$0x1B0] =	vst v11  }
0x2f: {  	[tilespmem:s25+$0x1C0] =	vst v12  }
0x30: {  	[tilespmem:s25+$0x1D0] =	vst v13  }
0x31: {  	[tilespmem:s25+$0x1E0] =	vst v14;
	s25 =	sshra.s32 s26, $0x2;
	s26 =	sadd.s32 $0x400, s26  }
0x32: {  	[tilespmem:s25+$0x1F0] =	vst v15  }
0x33: {  	[tilespmem:s25+$0x100] =	vst v0  }
0x34: {  	[tilespmem:s25+$0x110] =	vst v1  }
0x35: {  	[tilespmem:s25+$0x120] =	vst v2  }
0x36: {  	[tilespmem:s25+$0x130] =	vst v3  }
0x37: {  	[tilespmem:s25+$0x140] =	vst v4  }
0x38: {  	[tilespmem:s25+$0x150] =	vst v5  }
0x39: {  	[tilespmem:s25+$0x160] =	vst v6  }
0x3a: {  	[tilespmem:s25+$0x170] =	vst v7  }
0x3b: {  	[tilespmem:s25+$0x180] =	vst v8  }
0x3c: {  	[tilespmem:s25+$0x190] =	vst v9  }
0x3d: {  	[tilespmem:s25+$0x1A0] =	vst v10  }
0x3e: {  	[tilespmem:s25+$0x1B0] =	vst v11  }
0x3f: {  	[tilespmem:s25+$0x1C0] =	vst v12  }
0x40: {  	[tilespmem:s25+$0x1D0] =	vst v13  }
0x41: {  	[tilespmem:s25+$0x1E0] =	vst v14  }
0x42: {  	[hbm4b:s4+s3] =	stream.linear.scatter [tilespmem:s22], [sflag:$0x1], $0x10000, $0x38;
	[tilespmem:$0x10100] =	vst v63  }
0x43: {  	_ = 	snop  }
0x44: {  	[hbm4b:s6+s3] =	stream.linear.scatter [tilespmem:s22], [sflag:$0x1], $0x10000, $0x38;
	[tilespmem:$0x10100] =	vst v63  }
0x45: {  	_ = 	snop  }
0x46: {  	[hbm4b:s7+s3] =	stream.linear.scatter [tilespmem:s22], [sflag:$0x1], $0x10000, $0x38;
	[tilespmem:$0x10100] =	vst v63  }
0x47: {  	_ = 	snop  }
0x48: {  	[hbm4b:s8+s3] =	stream.linear.scatter [tilespmem:s22], [sflag:$0x1], $0x10000, $0x38;
	[tilespmem:$0x10100] =	vst v63  }
0x49: {  	_ = 	snop  }
0x4a: {  	[hbm4b:s9+s3] =	stream.linear.scatter [tilespmem:s22], [sflag:$0x1], $0x10000, $0x38;
	[tilespmem:$0x10100] =	vst v63  }
0x4b: {  	_ = 	snop  }
0x4c: {  	[hbm4b:s10+s3] =	stream.linear.scatter [tilespmem:s22], [sflag:$0x1], $0x10000, $0x38;
	[tilespmem:$0x10100] =	vst v63  }
0x4d: {  	_ = 	snop  }
0x4e: {  	[hbm4b:s11+s3] =	stream.linear.scatter [tilespmem:s22], [sflag:$0x1], $0x10000, $0x38;
	[tilespmem:$0x10100] =	vst v63  }
0x4f: {  	_ = 	snop  }
0x50: {  	[hbm4b:s12+s3] =	stream.linear.scatter [tilespmem:s22], [sflag:$0x1], $0x10000, $0x38;
	[tilespmem:$0x10100] =	vst v63  }
0x51: {  	_ = 	snop  }
0x52: {  	[hbm4b:s13+s3] =	stream.linear.scatter [tilespmem:s22], [sflag:$0x1], $0x10000, $0x38;
	[tilespmem:$0x10100] =	vst v63  }
0x53: {  	_ = 	snop  }
0x54: {  	[hbm4b:s14+s3] =	stream.linear.scatter [tilespmem:s22], [sflag:$0x1], $0x10000, $0x38;
	[tilespmem:$0x10100] =	vst v63  }
0x55: {  	_ = 	snop  }
0x56: {  	[hbm4b:s15+s3] =	stream.linear.scatter [tilespmem:s22], [sflag:$0x1], $0x10000, $0x38;
	[tilespmem:$0x10100] =	vst v63  }
0x57: {  	_ = 	snop  }
0x58: {  	[hbm4b:s16+s3] =	stream.linear.scatter [tilespmem:s22], [sflag:$0x1], $0x10000, $0x38;
	[tilespmem:$0x10100] =	vst v63  }
0x59: {  	_ = 	snop  }
0x5a: {  	[hbm4b:s17+s3] =	stream.linear.scatter [tilespmem:s22], [sflag:$0x1], $0x10000, $0x38;
	[tilespmem:$0x10100] =	vst v63  }
0x5b: {  	_ = 	snop  }
0x5c: {  	[hbm4b:s18+s3] =	stream.linear.scatter [tilespmem:s22], [sflag:$0x1], $0x10000, $0x38;
	[tilespmem:$0x10100] =	vst v63  }
0x5d: {  	_ = 	snop  }
0x5e: {  	[hbm4b:s19+s3] =	stream.linear.scatter [tilespmem:s22], [sflag:$0x1], $0x10000, $0x38;
	[tilespmem:$0x10100] =	vst v63  }
0x5f: {  	_ = 	snop  }
0x60: {  	[hbm4b:s20+s3] =	stream.linear.scatter [tilespmem:s22], [sflag:$0x1], $0x10000, $0x38;
	[tilespmem:$0x10100] =	vst v63  }
0x61: {  	_ =	swait.ge [sflag:s23], $0x10000  }
0x62: {  	[sflag:s23] =	ssyncset.done $0x0  }
0x63: {  	[sflag:s23] =	ssyncadd.s32 $0xFFFF0000  }
0x64: {  	_ =	swait.ge [sflag:s23], $0x10000  }
0x65: {  	[sflag:s23] =	ssyncset.done $0x0  }
0x66: {  	[sflag:s23] =	ssyncadd.s32 $0xFFFF0000  }
0x67: {  	_ =	swait.ge [sflag:s23], $0x10000  }
0x68: {  	[sflag:s23] =	ssyncset.done $0x0  }
0x69: {  	[sflag:s23] =	ssyncadd.s32 $0xFFFF0000  }
0x6a: {  	_ =	swait.ge [sflag:s23], $0x10000  }
0x6b: {  	[sflag:s23] =	ssyncset.done $0x0  }
0x6c: {  	[sflag:s23] =	ssyncadd.s32 $0xFFFF0000  }
0x6d: {  	_ =	swait.ge [sflag:s23], $0x10000  }
0x6e: {  	[sflag:s23] =	ssyncset.done $0x0  }
0x6f: {  	[sflag:s23] =	ssyncadd.s32 $0xFFFF0000  }
0x70: {  	_ =	swait.ge [sflag:s23], $0x10000  }
0x71: {  	[sflag:s23] =	ssyncset.done $0x0  }
0x72: {  	[sflag:s23] =	ssyncadd.s32 $0xFFFF0000  }
0x73: {  	_ =	swait.ge [sflag:s23], $0x10000  }
0x74: {  	[sflag:s23] =	ssyncset.done $0x0  }
0x75: {  	[sflag:s23] =	ssyncadd.s32 $0xFFFF0000  }
0x76: {  	_ =	swait.ge [sflag:s23], $0x10000  }
0x77: {  	[sflag:s23] =	ssyncset.done $0x0  }
0x78: {  	[sflag:s23] =	ssyncadd.s32 $0xFFFF0000  }
0x79: {  	_ =	swait.ge [sflag:s23], $0x10000  }
0x7a: {  	[sflag:s23] =	ssyncset.done $0x0  }
0x7b: {  	[sflag:s23] =	ssyncadd.s32 $0xFFFF0000  }
0x7c: {  	_ =	swait.ge [sflag:s23], $0x10000  }
0x7d: {  	[sflag:s23] =	ssyncset.done $0x0  }
0x7e: {  	[sflag:s23] =	ssyncadd.s32 $0xFFFF0000  }
0x7f: {  	_ =	swait.ge [sflag:s23], $0x10000  }
0x80: {  	[sflag:s23] =	ssyncset.done $0x0  }
0x81: {  	[sflag:s23] =	ssyncadd.s32 $0xFFFF0000  }
0x82: {  	_ =	swait.ge [sflag:s23], $0x10000  }
0x83: {  	[sflag:s23] =	ssyncset.done $0x0  }
0x84: {  	[sflag:s23] =	ssyncadd.s32 $0xFFFF0000  }
0x85: {  	_ =	swait.ge [sflag:s23], $0x10000  }
0x86: {  	[sflag:s23] =	ssyncset.done $0x0  }
0x87: {  	[sflag:s23] =	ssyncadd.s32 $0xFFFF0000  }
0x88: {  	_ =	swait.ge [sflag:s23], $0x10000  }
0x89: {  	[sflag:s23] =	ssyncset.done $0x0  }
0x8a: {  	s24 =	sadd.s32 $0x1, s24;
	[sflag:s23] =	ssyncadd.s32 $0xFFFF0000  }
0x8b: {  	p0 =	sne.s32 s24, s5;
	_ =	swait.ge [sflag:s23], $0x10000  }
.Ltmp1:
0x8c: {  	[sflag:s23] =	ssyncset.done $0x0;
	(pc) =	sbr.rel @p0 .LBB2_1-.Ltmp1, $4  }
0x8d: {  	[sflag:s23] =	ssyncadd.s32 $0xFFFF0000  }
0x8e: {  	_ =	swait.ge [sflag:s23], $0x10000  }
0x8f: {  	[sflag:s23] =	ssyncset.done $0x0  }
0x90: {  	[sflag:s23] =	ssyncadd.s32 $0xFFFF0000  }
0x91: {  	_ =	sfence.sel $0x180000  }
0x92: {  	[bflag:$0x0] =	sbarrier.arrive $0xFFFF  }
0x93: {  	p0 =	sne.s32 s2, $0x0;
	_ =	strace $0x90000047  }
0x94: {  	s0 =	sadd.s32 @!p0 $0x100000, s0;
	[bflag:$0x2] =	sbarrier.arrive $0xFFFF  }
0x95: {  	[sflag:s0] =	ssyncadd.tile.s32 @!p0 $0x1;
	_ =	shalt  }
.Lfunc_end2:
_tile_overlayer_lowered:
.L_overlay_start_2:
0x96: {  	(tag) =	ssettag $0x2  }
0x97: {  	s0 =	rddreg [dreg:$0x0];
	s2 =	stileid.u32  }
0x98: {  	s1 =	rddreg [dreg:$0x1];
	p0 =	sne.s32 s2, $0x0  }
0x99: {  	s3 =	rddreg [dreg:$0x2];
	[bflag:$0x3] =	sbarrier.arrive $0xFFFF;
	s2 =	simm.s32 @!p0 $0x1C02  }
0x9a: {  	[timem:s3], [sflag:s2] =	dma.local @!p0 [hbm:s0], s1  }
0x9b: {  	s0 =	simm.s32 @!p0 $0x2  }
0x9c: {  	_ =	swait.ge @!p0 [sflag:s0], s1  }
0x9d: {  	s1 =	ssub.s32 @!p0 $0x0, s1;
	[sflag:s0] =	ssyncset.done @!p0 $0x0  }
0x9e: {  	[sflag:s0] =	ssyncadd.s32 @!p0 s1  }
0x9f: {  	[bflag:$0x3] =	sbarrier.arrive $0xFFFF  }
0xa0: {  	_ =	shalt  }

</sc_bundles>
